<compile_context>
chip_gen: v7x
topology: tpu7x:2x2x1
jax: 0.10.2.dev20260603
libtpu: 0.0.44.dev20260713+nightly
codegen_flags: <defaults>
</compile_context>

<pallas_src>
import jax
import jax.numpy as jnp
from jax import lax
from jax.experimental import pallas as pl
from jax.experimental.pallas import tpu as pltpu
from jax.experimental.pallas import tpu_sc as plsc

N = 10000
E = 320000
EMB = 128
NUM_CLASSES = 10

NC = 2
NS = 16
L = 16
NW = NC * NS
E_PER = E // NW
E_VECS = E_PER // L
N_VECS = N // L


UNROLL = 5


W_AL = 10112


def _sc_edge_pass(feat_hbm, ei_hbm, agg_out, deg_out,
                  feat_v, ei_v, agg_v, deg_v,
                  sem_f, sem_e, sem_oa, sem_od):
    wid = lax.axis_index("s") * NC + lax.axis_index("c")
    base = wid * E_PER
    pad = lax.rem(base, 128)
    base_al = pl.multiple_of(base - pad, 128)
    cp_f = pltpu.async_copy(feat_hbm, feat_v, sem_f)
    cp_e = pltpu.async_copy(ei_hbm.at[:, pl.ds(base_al, W_AL)], ei_v, sem_e)

    zeros = jnp.zeros((L,), jnp.float32)

    def zbody(i, carry):
        for u in range(UNROLL):
            off = (i * UNROLL + u) * L
            agg_v[pl.ds(off, L)] = zeros
            deg_v[pl.ds(off, L)] = zeros
        return carry

    lax.fori_loop(0, N_VECS // UNROLL, zbody, 0)
    cp_f.wait()
    cp_e.wait()

    ones = jnp.ones((L,), jnp.float32)

    def body(i, carry):
        offs = [pad + (i * UNROLL + u) * L for u in range(UNROLL)]
        sis = [ei_v[0, pl.ds(off, L)] for off in offs]
        dis = [ei_v[1, pl.ds(off, L)] for off in offs]
        vals = [plsc.load_gather(feat_v, [si]) for si in sis]
        for di, v in zip(dis, vals):
            plsc.addupdate_scatter(agg_v, [di], v)
        for si in sis:
            plsc.addupdate_scatter(deg_v, [si], ones)
        return carry

    lax.fori_loop(0, E_VECS // UNROLL, body, 0)

    cp_oa = pltpu.async_copy(agg_v, agg_out.at[wid], sem_oa)
    cp_od = pltpu.async_copy(deg_v, deg_out.at[wid], sem_od)
    cp_oa.wait()
    cp_od.wait()


_sc_call = pl.kernel(
    _sc_edge_pass,
    out_type=[jax.ShapeDtypeStruct((NW, N), jnp.float32),
              jax.ShapeDtypeStruct((NW, N), jnp.float32)],
    mesh=plsc.VectorSubcoreMesh(core_axis_name="c", subcore_axis_name="s"),
    compiler_params=pltpu.CompilerParams(needs_layout_passes=False),
    scratch_types=[
        pltpu.VMEM((N,), jnp.float32),
        pltpu.VMEM((2, W_AL), jnp.int32),
        pltpu.VMEM((N,), jnp.float32),
        pltpu.VMEM((N,), jnp.float32),
        pltpu.SemaphoreType.DMA,
        pltpu.SemaphoreType.DMA,
        pltpu.SemaphoreType.DMA,
        pltpu.SemaphoreType.DMA,
    ],
)


def _tc_head(feat_ref, aggp_ref, degp_ref, W1_ref, b1_ref, W2_ref, b2_ref,
             fW1_ref, fb1_ref, fW2_ref, fb2_ref, out_ref):
    agg = jnp.sum(aggp_ref[...], axis=0)
    deg = jnp.sum(degp_ref[...], axis=0)
    s = feat_ref[...][:, 0] + agg
    w = 1.0 + deg
    sb = s.astype(jnp.bfloat16).astype(jnp.float32)
    W1b = W1_ref[...].astype(jnp.bfloat16).astype(jnp.float32)
    h1 = jax.nn.relu(sb[:, None] * W1b + b1_ref[...])
    t = jnp.dot(w[None, :], h1, precision=jax.lax.Precision.HIGHEST,
                preferred_element_type=jnp.float32)
    hg = t * (1.0 / N)
    hg = jnp.dot(hg, W2_ref[...], preferred_element_type=jnp.float32) + b2_ref[...]
    o = jax.nn.relu(
        jnp.dot(hg, fW1_ref[...], preferred_element_type=jnp.float32) + fb1_ref[...])
    out_ref[...] = (
        jnp.dot(o, fW2_ref[...], preferred_element_type=jnp.float32) + fb2_ref[...])


_tc_call = pl.pallas_call(
    _tc_head,
    out_shape=jax.ShapeDtypeStruct((1, NUM_CLASSES), jnp.float32),
)


def kernel(feat, edge_index, W1, b1, W2, b2, fW1, fb1, fW2, fb2):
    ei = edge_index.astype(jnp.int32)
    f = feat.astype(jnp.float32)
    aggp, degp = _sc_call(f[:, 0], ei)
    return _tc_call(f, aggp, degp,
                    W1, b1.reshape(1, EMB), W2, b2.reshape(1, EMB),
                    fW1, fb1.reshape(1, EMB), fW2, fb2.reshape(1, NUM_CLASSES))

# --- scband reference (transcript-rebuilt; emitter-appended) ---
"""Pipeline reference for scband-graph-classification-model-72894184948279 (READ-ONLY COPY).

The authoritative reference and input builder live on the scoring server;
editing this copy changes nothing except your own understanding.
"""

import jax, jax.numpy as jnp
import numpy as np

N_NODES = 10000
N_EDGES = 320000
EMB = 128
NUM_CLASSES = 10

def setup_inputs(seed: int = 0) -> dict:
    key = jax.random.key(seed)
    ks = [jax.random.fold_in(key, i) for i in range(12)]
    feat = jax.random.normal(ks[0], (N_NODES, 1), dtype=jnp.float32)
    edge_index = jax.random.randint(ks[1], (2, N_EDGES), 0, N_NODES, dtype=jnp.int64)
    W1 = jax.random.normal(ks[2], (1, EMB), dtype=jnp.float32) * 0.1
    b1 = jnp.zeros((EMB,), dtype=jnp.float32)
    W2 = jax.random.normal(ks[3], (EMB, EMB), dtype=jnp.float32) * (1.0 / np.sqrt(EMB))
    b2 = jnp.zeros((EMB,), dtype=jnp.float32)
    fW1 = jax.random.normal(ks[4], (EMB, EMB), dtype=jnp.float32) * (1.0 / np.sqrt(EMB))
    fb1 = jnp.zeros((EMB,), dtype=jnp.float32)
    fW2 = jax.random.normal(ks[5], (EMB, NUM_CLASSES), dtype=jnp.float32) * (1.0 / np.sqrt(EMB))
    fb2 = jnp.zeros((NUM_CLASSES,), dtype=jnp.float32)
    return {"feat": feat, "edge_index": edge_index, "W1": W1, "b1": b1, "W2": W2, "b2": b2, "fW1": fW1, "fb1": fb1, "fW2": fW2, "fb2": fb2}

def reference(feat, edge_index, W1, b1, W2, b2, fW1, fb1, fW2, fb2):
    # DGL GINConv (aggregator_type='sum', eps=0): h' = apply_func((1+eps)*h + sum_neighbors h_j)
    src = edge_index[0]
    dst = edge_index[1]
    n = feat.shape[0]
    h = feat.astype(jnp.float32)
    # conv1
    agg = jax.ops.segment_sum(h[src], dst, num_segments=n)
    h = (h + agg) @ W1 + b1
    h = jax.nn.relu(h)
    # conv2
    agg2 = jax.ops.segment_sum(h[src], dst, num_segments=n)
    h = (h + agg2) @ W2 + b2
    # dgl.mean_nodes over a single graph -> mean over all nodes
    hg = jnp.mean(h, axis=0, keepdims=True)
    out = jax.nn.relu(hg @ fW1 + fb1)
    out = out @ fW2 + fb2
    return out

if __name__ == "__main__":
    import jax
    _d = setup_inputs()
    print(jax.jit(kernel)(*tuple(_d.values())))

</pallas_src>

<mosaic_0001>
#map = affine_map<(d0, d1) -> (0)>
#map1 = affine_map<(d0, d1) -> (0, 0)>
module attributes {stable_mosaic.version = 14 : i64} {
  func.func @_sc_edge_pass(%arg0: i32, %arg1: i32, %arg2: memref<10000xf32, #tpu.memory_space<hbm>>, %arg3: memref<2x320000xi32, #tpu.memory_space<hbm>>, %arg4: memref<32x10000xf32, #tpu.memory_space<hbm>>, %arg5: memref<32x10000xf32, #tpu.memory_space<hbm>>, %arg6: memref<10000xf32, #tpu.memory_space<vmem>>, %arg7: memref<2x10112xi32, #tpu.memory_space<vmem>>, %arg8: memref<10000xf32, #tpu.memory_space<vmem>>, %arg9: memref<10000xf32, #tpu.memory_space<vmem>>, %arg10: memref<!tpu.dma_semaphore, #tpu.memory_space<semaphore_mem>>, %arg11: memref<!tpu.dma_semaphore, #tpu.memory_space<semaphore_mem>>, %arg12: memref<!tpu.dma_semaphore, #tpu.memory_space<semaphore_mem>>, %arg13: memref<!tpu.dma_semaphore, #tpu.memory_space<semaphore_mem>>) attributes {dimension_semantics = [#tpu.dimension_semantics<core_parallel>, #tpu.dimension_semantics<subcore_parallel>], iteration_bounds = array<i64: 2, 16>, scalar_prefetch = 0 : i64, scratch_operands = 8 : i64, tpu.core_type = #tpu.core_type<sc_vector_subcore>, window_params = [{transform_indices = #map}, {transform_indices = #map1}, {transform_indices = #map1}, {transform_indices = #map1}]} {
    %mul3A = arith.constant 2 : i32
    %mul3A_0 = arith.muli %arg1, %mul3A : i32
    %add3A = arith.addi %mul3A_0, %arg0 : i32
    %mul3A_1 = arith.constant 10000 : i32
    %mul3A_2 = arith.muli %add3A, %mul3A_1 : i32
    %rem3A = arith.constant 128 : i32
    %rem3A_3 = arith.remsi %mul3A_2, %rem3A : i32
    %sub3A = arith.subi %mul3A_2, %rem3A_3 : i32
    %multiple_of3A = tpu.assume_multiple %sub3A, 128 : i32
    tpu.enqueue_dma source(%arg2 : memref<10000xf32, #tpu.memory_space<hbm>>) target(%arg6 : memref<10000xf32, #tpu.memory_space<vmem>>) target_semaphore(%arg10 : memref<!tpu.dma_semaphore, #tpu.memory_space<semaphore_mem>>)
    %dma_start3A = arith.constant 0 : i32
    %dma_start3A_4 = tpu.memref_slice %arg3[%dma_start3A, %multiple_of3A] : memref<2x320000xi32, #tpu.memory_space<hbm>> -> memref<2x10112xi32, #tpu.memory_space<hbm>>
    %dma_start3A_5 = arith.constant 0 : i32
    %dma_start3A_6 = tpu.memref_slice %arg3[%dma_start3A_5, %multiple_of3A] : memref<2x320000xi32, #tpu.memory_space<hbm>> -> memref<2x10112xi32, #tpu.memory_space<hbm>>
    tpu.enqueue_dma source(%dma_start3A_6 : memref<2x10112xi32, #tpu.memory_space<hbm>>) target(%arg7 : memref<2x10112xi32, #tpu.memory_space<vmem>>) target_semaphore(%arg11 : memref<!tpu.dma_semaphore, #tpu.memory_space<semaphore_mem>>)
    %broadcast_in_dim3A = arith.constant 0.000000e+00 : f32
    %broadcast_in_dim3A_7 = vector.broadcast %broadcast_in_dim3A : f32 to vector<16xf32>
    %scan3A = arith.constant 0 : i32
    %scan3A_8 = arith.constant 0 : i32
    %scan3A_9 = arith.constant 125 : i32
    %scan3A_10 = arith.addi %scan3A_8, %scan3A_9 : i32
    %scan3A_11 = arith.constant 1 : i32
    scf.for %scan3A_48 = %scan3A_8 to %scan3A_10 step %scan3A_11  : i32 {
      %mul3A_49 = arith.constant 5 : i32
      %mul3A_50 = arith.muli %scan3A_48, %mul3A_49 : i32
      %add3A_51 = arith.constant 0 : i32
      %add3A_52 = arith.addi %mul3A_50, %add3A_51 : i32
      %mul3A_53 = arith.constant 16 : i32
      %mul3A_54 = arith.muli %add3A_52, %mul3A_53 : i32
      %swap3A = arith.index_cast %mul3A_54 : i32 to index
      %swap3A_55 = tpu.vector_load %arg8[%swap3A] {strides = array<i32>} : memref<10000xf32, #tpu.memory_space<vmem>>, vector<16xf32>,
      tpu.vector_store %arg8[%swap3A], %broadcast_in_dim3A_7 {strides = array<i32>} : memref<10000xf32, #tpu.memory_space<vmem>>, vector<16xf32>,
      %swap3A_56 = arith.index_cast %mul3A_54 : i32 to index
      %swap3A_57 = tpu.vector_load %arg9[%swap3A_56] {strides = array<i32>} : memref<10000xf32, #tpu.memory_space<vmem>>, vector<16xf32>,
      tpu.vector_store %arg9[%swap3A_56], %broadcast_in_dim3A_7 {strides = array<i32>} : memref<10000xf32, #tpu.memory_space<vmem>>, vector<16xf32>,
      %mul3A_58 = arith.constant 5 : i32
      %mul3A_59 = arith.muli %scan3A_48, %mul3A_58 : i32
      %add3A_60 = arith.constant 1 : i32
      %add3A_61 = arith.addi %mul3A_59, %add3A_60 : i32
      %mul3A_62 = arith.constant 16 : i32
      %mul3A_63 = arith.muli %add3A_61, %mul3A_62 : i32
      %swap3A_64 = arith.index_cast %mul3A_63 : i32 to index
      %swap3A_65 = tpu.vector_load %arg8[%swap3A_64] {strides = array<i32>} : memref<10000xf32, #tpu.memory_space<vmem>>, vector<16xf32>,
      tpu.vector_store %arg8[%swap3A_64], %broadcast_in_dim3A_7 {strides = array<i32>} : memref<10000xf32, #tpu.memory_space<vmem>>, vector<16xf32>,
      %swap3A_66 = arith.index_cast %mul3A_63 : i32 to index
      %swap3A_67 = tpu.vector_load %arg9[%swap3A_66] {strides = array<i32>} : memref<10000xf32, #tpu.memory_space<vmem>>, vector<16xf32>,
      tpu.vector_store %arg9[%swap3A_66], %broadcast_in_dim3A_7 {strides = array<i32>} : memref<10000xf32, #tpu.memory_space<vmem>>, vector<16xf32>,
      %mul3A_68 = arith.constant 5 : i32
      %mul3A_69 = arith.muli %scan3A_48, %mul3A_68 : i32
      %add3A_70 = arith.constant 2 : i32
      %add3A_71 = arith.addi %mul3A_69, %add3A_70 : i32
      %mul3A_72 = arith.constant 16 : i32
      %mul3A_73 = arith.muli %add3A_71, %mul3A_72 : i32
      %swap3A_74 = arith.index_cast %mul3A_73 : i32 to index
      %swap3A_75 = tpu.vector_load %arg8[%swap3A_74] {strides = array<i32>} : memref<10000xf32, #tpu.memory_space<vmem>>, vector<16xf32>,
      tpu.vector_store %arg8[%swap3A_74], %broadcast_in_dim3A_7 {strides = array<i32>} : memref<10000xf32, #tpu.memory_space<vmem>>, vector<16xf32>,
      %swap3A_76 = arith.index_cast %mul3A_73 : i32 to index
      %swap3A_77 = tpu.vector_load %arg9[%swap3A_76] {strides = array<i32>} : memref<10000xf32, #tpu.memory_space<vmem>>, vector<16xf32>,
      tpu.vector_store %arg9[%swap3A_76], %broadcast_in_dim3A_7 {strides = array<i32>} : memref<10000xf32, #tpu.memory_space<vmem>>, vector<16xf32>,
      %mul3A_78 = arith.constant 5 : i32
      %mul3A_79 = arith.muli %scan3A_48, %mul3A_78 : i32
      %add3A_80 = arith.constant 3 : i32
      %add3A_81 = arith.addi %mul3A_79, %add3A_80 : i32
      %mul3A_82 = arith.constant 16 : i32
      %mul3A_83 = arith.muli %add3A_81, %mul3A_82 : i32
      %swap3A_84 = arith.index_cast %mul3A_83 : i32 to index
      %swap3A_85 = tpu.vector_load %arg8[%swap3A_84] {strides = array<i32>} : memref<10000xf32, #tpu.memory_space<vmem>>, vector<16xf32>,
      tpu.vector_store %arg8[%swap3A_84], %broadcast_in_dim3A_7 {strides = array<i32>} : memref<10000xf32, #tpu.memory_space<vmem>>, vector<16xf32>,
      %swap3A_86 = arith.index_cast %mul3A_83 : i32 to index
      %swap3A_87 = tpu.vector_load %arg9[%swap3A_86] {strides = array<i32>} : memref<10000xf32, #tpu.memory_space<vmem>>, vector<16xf32>,
      tpu.vector_store %arg9[%swap3A_86], %broadcast_in_dim3A_7 {strides = array<i32>} : memref<10000xf32, #tpu.memory_space<vmem>>, vector<16xf32>,
      %mul3A_88 = arith.constant 5 : i32
      %mul3A_89 = arith.muli %scan3A_48, %mul3A_88 : i32
      %add3A_90 = arith.constant 4 : i32
      %add3A_91 = arith.addi %mul3A_89, %add3A_90 : i32
      %mul3A_92 = arith.constant 16 : i32
      %mul3A_93 = arith.muli %add3A_91, %mul3A_92 : i32
      %swap3A_94 = arith.index_cast %mul3A_93 : i32 to index
      %swap3A_95 = tpu.vector_load %arg8[%swap3A_94] {strides = array<i32>} : memref<10000xf32, #tpu.memory_space<vmem>>, vector<16xf32>,
      tpu.vector_store %arg8[%swap3A_94], %broadcast_in_dim3A_7 {strides = array<i32>} : memref<10000xf32, #tpu.memory_space<vmem>>, vector<16xf32>,
      %swap3A_96 = arith.index_cast %mul3A_93 : i32 to index
      %swap3A_97 = tpu.vector_load %arg9[%swap3A_96] {strides = array<i32>} : memref<10000xf32, #tpu.memory_space<vmem>>, vector<16xf32>,
      tpu.vector_store %arg9[%swap3A_96], %broadcast_in_dim3A_7 {strides = array<i32>} : memref<10000xf32, #tpu.memory_space<vmem>>, vector<16xf32>,
    }
    %scan3A_12 = arith.constant 125 : i32
    tpu.wait_dma2 semaphore(%arg10 : memref<!tpu.dma_semaphore, #tpu.memory_space<semaphore_mem>>) src(%arg2 : memref<10000xf32, #tpu.memory_space<hbm>>) dst(%arg6 : memref<10000xf32, #tpu.memory_space<vmem>>)
    %dma_wait3A = arith.constant 0 : i32
    %dma_wait3A_13 = tpu.memref_slice %arg3[%dma_wait3A, %multiple_of3A] : memref<2x320000xi32, #tpu.memory_space<hbm>> -> memref<2x10112xi32, #tpu.memory_space<hbm>>
    %dma_wait3A_14 = arith.constant 0 : i32
    %dma_wait3A_15 = tpu.memref_slice %arg3[%dma_wait3A_14, %multiple_of3A] : memref<2x320000xi32, #tpu.memory_space<hbm>> -> memref<2x10112xi32, #tpu.memory_space<hbm>>
    tpu.wait_dma2 semaphore(%arg11 : memref<!tpu.dma_semaphore, #tpu.memory_space<semaphore_mem>>) src(%dma_wait3A_15 : memref<2x10112xi32, #tpu.memory_space<hbm>>) dst(%arg7 : memref<2x10112xi32, #tpu.memory_space<vmem>>)
    %broadcast_in_dim3A_16 = arith.constant 1.000000e+00 : f32
    %broadcast_in_dim3A_17 = vector.broadcast %broadcast_in_dim3A_16 : f32 to vector<16xf32>
    %scan3A_18 = arith.constant 0 : i32
    %scan3A_19 = arith.constant 0 : i32
    %scan3A_20 = arith.constant 125 : i32
    %scan3A_21 = arith.addi %scan3A_19, %scan3A_20 : i32
    %scan3A_22 = arith.constant 1 : i32
    scf.for %scan3A_48 = %scan3A_19 to %scan3A_21 step %scan3A_22  : i32 {
      %mul3A_49 = arith.constant 5 : i32
      %mul3A_50 = arith.muli %scan3A_48, %mul3A_49 : i32
      %add3A_51 = arith.constant 0 : i32
      %add3A_52 = arith.addi %mul3A_50, %add3A_51 : i32
      %mul3A_53 = arith.constant 16 : i32
      %mul3A_54 = arith.muli %add3A_52, %mul3A_53 : i32
      %add3A_55 = arith.addi %rem3A_3, %mul3A_54 : i32
      %mul3A_56 = arith.constant 5 : i32
      %mul3A_57 = arith.muli %scan3A_48, %mul3A_56 : i32
      %add3A_58 = arith.constant 1 : i32
      %add3A_59 = arith.addi %mul3A_57, %add3A_58 : i32
      %mul3A_60 = arith.constant 16 : i32
      %mul3A_61 = arith.muli %add3A_59, %mul3A_60 : i32
      %add3A_62 = arith.addi %rem3A_3, %mul3A_61 : i32
      %mul3A_63 = arith.constant 5 : i32
      %mul3A_64 = arith.muli %scan3A_48, %mul3A_63 : i32
      %add3A_65 = arith.constant 2 : i32
      %add3A_66 = arith.addi %mul3A_64, %add3A_65 : i32
      %mul3A_67 = arith.constant 16 : i32
      %mul3A_68 = arith.muli %add3A_66, %mul3A_67 : i32
      %add3A_69 = arith.addi %rem3A_3, %mul3A_68 : i32
      %mul3A_70 = arith.constant 5 : i32
      %mul3A_71 = arith.muli %scan3A_48, %mul3A_70 : i32
      %add3A_72 = arith.constant 3 : i32
      %add3A_73 = arith.addi %mul3A_71, %add3A_72 : i32
      %mul3A_74 = arith.constant 16 : i32
      %mul3A_75 = arith.muli %add3A_73, %mul3A_74 : i32
      %add3A_76 = arith.addi %rem3A_3, %mul3A_75 : i32
      %mul3A_77 = arith.constant 5 : i32
      %mul3A_78 = arith.muli %scan3A_48, %mul3A_77 : i32
      %add3A_79 = arith.constant 4 : i32
      %add3A_80 = arith.addi %mul3A_78, %add3A_79 : i32
      %mul3A_81 = arith.constant 16 : i32
      %mul3A_82 = arith.muli %add3A_80, %mul3A_81 : i32
      %add3A_83 = arith.addi %rem3A_3, %mul3A_82 : i32
      %get3A = arith.constant 0 : i32
      %get3A_84 = arith.index_cast %get3A : i32 to index
      %get3A_85 = arith.index_cast %add3A_55 : i32 to index
      %get3A_86 = tpu.vector_load %arg7[%get3A_84, %get3A_85] {strides = array<i32>} : memref<2x10112xi32, #tpu.memory_space<vmem>>, vector<16xi32>,
      %get3A_87 = arith.constant 0 : i32
      %get3A_88 = arith.index_cast %get3A_87 : i32 to index
      %get3A_89 = arith.index_cast %add3A_62 : i32 to index
      %get3A_90 = tpu.vector_load %arg7[%get3A_88, %get3A_89] {strides = array<i32>} : memref<2x10112xi32, #tpu.memory_space<vmem>>, vector<16xi32>,
      %get3A_91 = arith.constant 0 : i32
      %get3A_92 = arith.index_cast %get3A_91 : i32 to index
      %get3A_93 = arith.index_cast %add3A_69 : i32 to index
      %get3A_94 = tpu.vector_load %arg7[%get3A_92, %get3A_93] {strides = array<i32>} : memref<2x10112xi32, #tpu.memory_space<vmem>>, vector<16xi32>,
      %get3A_95 = arith.constant 0 : i32
      %get3A_96 = arith.index_cast %get3A_95 : i32 to index
      %get3A_97 = arith.index_cast %add3A_76 : i32 to index
      %get3A_98 = tpu.vector_load %arg7[%get3A_96, %get3A_97] {strides = array<i32>} : memref<2x10112xi32, #tpu.memory_space<vmem>>, vector<16xi32>,
      %get3A_99 = arith.constant 0 : i32
      %get3A_100 = arith.index_cast %get3A_99 : i32 to index
      %get3A_101 = arith.index_cast %add3A_83 : i32 to index
      %get3A_102 = tpu.vector_load %arg7[%get3A_100, %get3A_101] {strides = array<i32>} : memref<2x10112xi32, #tpu.memory_space<vmem>>, vector<16xi32>,
      %get3A_103 = arith.constant 1 : i32
      %get3A_104 = arith.index_cast %get3A_103 : i32 to index
      %get3A_105 = arith.index_cast %add3A_55 : i32 to index
      %get3A_106 = tpu.vector_load %arg7[%get3A_104, %get3A_105] {strides = array<i32>} : memref<2x10112xi32, #tpu.memory_space<vmem>>, vector<16xi32>,
      %get3A_107 = arith.constant 1 : i32
      %get3A_108 = arith.index_cast %get3A_107 : i32 to index
      %get3A_109 = arith.index_cast %add3A_62 : i32 to index
      %get3A_110 = tpu.vector_load %arg7[%get3A_108, %get3A_109] {strides = array<i32>} : memref<2x10112xi32, #tpu.memory_space<vmem>>, vector<16xi32>,
      %get3A_111 = arith.constant 1 : i32
      %get3A_112 = arith.index_cast %get3A_111 : i32 to index
      %get3A_113 = arith.index_cast %add3A_69 : i32 to index
      %get3A_114 = tpu.vector_load %arg7[%get3A_112, %get3A_113] {strides = array<i32>} : memref<2x10112xi32, #tpu.memory_space<vmem>>, vector<16xi32>,
      %get3A_115 = arith.constant 1 : i32
      %get3A_116 = arith.index_cast %get3A_115 : i32 to index
      %get3A_117 = arith.index_cast %add3A_76 : i32 to index
      %get3A_118 = tpu.vector_load %arg7[%get3A_116, %get3A_117] {strides = array<i32>} : memref<2x10112xi32, #tpu.memory_space<vmem>>, vector<16xi32>,
      %get3A_119 = arith.constant 1 : i32
      %get3A_120 = arith.index_cast %get3A_119 : i32 to index
      %get3A_121 = arith.index_cast %add3A_83 : i32 to index
      %get3A_122 = tpu.vector_load %arg7[%get3A_120, %get3A_121] {strides = array<i32>} : memref<2x10112xi32, #tpu.memory_space<vmem>>, vector<16xi32>,
      %gather3A = tpu.vector_load_idx %arg6[%get3A_86] : memref<10000xf32, #tpu.memory_space<vmem>>[vector<16xi32>], vector<16xf32>,
      %gather3A_123 = tpu.vector_load_idx %arg6[%get3A_90] : memref<10000xf32, #tpu.memory_space<vmem>>[vector<16xi32>], vector<16xf32>,
      %gather3A_124 = tpu.vector_load_idx %arg6[%get3A_94] : memref<10000xf32, #tpu.memory_space<vmem>>[vector<16xi32>], vector<16xf32>,
      %gather3A_125 = tpu.vector_load_idx %arg6[%get3A_98] : memref<10000xf32, #tpu.memory_space<vmem>>[vector<16xi32>], vector<16xf32>,
      %gather3A_126 = tpu.vector_load_idx %arg6[%get3A_102] : memref<10000xf32, #tpu.memory_space<vmem>>[vector<16xi32>], vector<16xf32>,
      tpu.vector_store_idx %arg8[%get3A_106], %gather3A {add = true} : memref<10000xf32, #tpu.memory_space<vmem>>[vector<16xi32>], vector<16xf32>,
      tpu.vector_store_idx %arg8[%get3A_110], %gather3A_123 {add = true} : memref<10000xf32, #tpu.memory_space<vmem>>[vector<16xi32>], vector<16xf32>,
      tpu.vector_store_idx %arg8[%get3A_114], %gather3A_124 {add = true} : memref<10000xf32, #tpu.memory_space<vmem>>[vector<16xi32>], vector<16xf32>,
      tpu.vector_store_idx %arg8[%get3A_118], %gather3A_125 {add = true} : memref<10000xf32, #tpu.memory_space<vmem>>[vector<16xi32>], vector<16xf32>,
      tpu.vector_store_idx %arg8[%get3A_122], %gather3A_126 {add = true} : memref<10000xf32, #tpu.memory_space<vmem>>[vector<16xi32>], vector<16xf32>,
      tpu.vector_store_idx %arg9[%get3A_86], %broadcast_in_dim3A_17 {add = true} : memref<10000xf32, #tpu.memory_space<vmem>>[vector<16xi32>], vector<16xf32>,
      tpu.vector_store_idx %arg9[%get3A_90], %broadcast_in_dim3A_17 {add = true} : memref<10000xf32, #tpu.memory_space<vmem>>[vector<16xi32>], vector<16xf32>,
      tpu.vector_store_idx %arg9[%get3A_94], %broadcast_in_dim3A_17 {add = true} : memref<10000xf32, #tpu.memory_space<vmem>>[vector<16xi32>], vector<16xf32>,
      tpu.vector_store_idx %arg9[%get3A_98], %broadcast_in_dim3A_17 {add = true} : memref<10000xf32, #tpu.memory_space<vmem>>[vector<16xi32>], vector<16xf32>,
      tpu.vector_store_idx %arg9[%get3A_102], %broadcast_in_dim3A_17 {add = true} : memref<10000xf32, #tpu.memory_space<vmem>>[vector<16xi32>], vector<16xf32>,
    }
    %scan3A_23 = arith.constant 125 : i32
    %dma_start3A_24 = arith.constant 0 : i32
    %dma_start3A_25 = tpu.memref_slice %arg4[%add3A, %dma_start3A_24] : memref<32x10000xf32, #tpu.memory_space<hbm>> -> memref<1x10000xf32, #tpu.memory_space<hbm>>
    %dma_start3A_26 = tpu.memref_squeeze %dma_start3A_25 : memref<1x10000xf32, #tpu.memory_space<hbm>> -> memref<10000xf32, #tpu.memory_space<hbm>>
    %dma_start3A_27 = arith.constant 0 : i32
    %dma_start3A_28 = tpu.memref_slice %arg4[%add3A, %dma_start3A_27] : memref<32x10000xf32, #tpu.memory_space<hbm>> -> memref<1x10000xf32, #tpu.memory_space<hbm>>
    %dma_start3A_29 = tpu.memref_squeeze %dma_start3A_28 : memref<1x10000xf32, #tpu.memory_space<hbm>> -> memref<10000xf32, #tpu.memory_space<hbm>>
    tpu.enqueue_dma source(%arg8 : memref<10000xf32, #tpu.memory_space<vmem>>) target(%dma_start3A_29 : memref<10000xf32, #tpu.memory_space<hbm>>) target_semaphore(%arg12 : memref<!tpu.dma_semaphore, #tpu.memory_space<semaphore_mem>>)
    %dma_start3A_30 = arith.constant 0 : i32
    %dma_start3A_31 = tpu.memref_slice %arg5[%add3A, %dma_start3A_30] : memref<32x10000xf32, #tpu.memory_space<hbm>> -> memref<1x10000xf32, #tpu.memory_space<hbm>>
    %dma_start3A_32 = tpu.memref_squeeze %dma_start3A_31 : memref<1x10000xf32, #tpu.memory_space<hbm>> -> memref<10000xf32, #tpu.memory_space<hbm>>
    %dma_start3A_33 = arith.constant 0 : i32
    %dma_start3A_34 = tpu.memref_slice %arg5[%add3A, %dma_start3A_33] : memref<32x10000xf32, #tpu.memory_space<hbm>> -> memref<1x10000xf32, #tpu.memory_space<hbm>>
    %dma_start3A_35 = tpu.memref_squeeze %dma_start3A_34 : memref<1x10000xf32, #tpu.memory_space<hbm>> -> memref<10000xf32, #tpu.memory_space<hbm>>
    tpu.enqueue_dma source(%arg9 : memref<10000xf32, #tpu.memory_space<vmem>>) target(%dma_start3A_35 : memref<10000xf32, #tpu.memory_space<hbm>>) target_semaphore(%arg13 : memref<!tpu.dma_semaphore, #tpu.memory_space<semaphore_mem>>)
    %dma_wait3A_36 = arith.constant 0 : i32
    %dma_wait3A_37 = tpu.memref_slice %arg4[%add3A, %dma_wait3A_36] : memref<32x10000xf32, #tpu.memory_space<hbm>> -> memref<1x10000xf32, #tpu.memory_space<hbm>>
    %dma_wait3A_38 = tpu.memref_squeeze %dma_wait3A_37 : memref<1x10000xf32, #tpu.memory_space<hbm>> -> memref<10000xf32, #tpu.memory_space<hbm>>
    %dma_wait3A_39 = arith.constant 0 : i32
    %dma_wait3A_40 = tpu.memref_slice %arg4[%add3A, %dma_wait3A_39] : memref<32x10000xf32, #tpu.memory_space<hbm>> -> memref<1x10000xf32, #tpu.memory_space<hbm>>
    %dma_wait3A_41 = tpu.memref_squeeze %dma_wait3A_40 : memref<1x10000xf32, #tpu.memory_space<hbm>> -> memref<10000xf32, #tpu.memory_space<hbm>>
    tpu.wait_dma2 semaphore(%arg12 : memref<!tpu.dma_semaphore, #tpu.memory_space<semaphore_mem>>) src(%arg8 : memref<10000xf32, #tpu.memory_space<vmem>>) dst(%dma_wait3A_41 : memref<10000xf32, #tpu.memory_space<hbm>>)
    %dma_wait3A_42 = arith.constant 0 : i32
    %dma_wait3A_43 = tpu.memref_slice %arg5[%add3A, %dma_wait3A_42] : memref<32x10000xf32, #tpu.memory_space<hbm>> -> memref<1x10000xf32, #tpu.memory_space<hbm>>
    %dma_wait3A_44 = tpu.memref_squeeze %dma_wait3A_43 : memref<1x10000xf32, #tpu.memory_space<hbm>> -> memref<10000xf32, #tpu.memory_space<hbm>>
    %dma_wait3A_45 = arith.constant 0 : i32
    %dma_wait3A_46 = tpu.memref_slice %arg5[%add3A, %dma_wait3A_45] : memref<32x10000xf32, #tpu.memory_space<hbm>> -> memref<1x10000xf32, #tpu.memory_space<hbm>>
    %dma_wait3A_47 = tpu.memref_squeeze %dma_wait3A_46 : memref<1x10000xf32, #tpu.memory_space<hbm>> -> memref<10000xf32, #tpu.memory_space<hbm>>
    tpu.wait_dma2 semaphore(%arg13 : memref<!tpu.dma_semaphore, #tpu.memory_space<semaphore_mem>>) src(%arg9 : memref<10000xf32, #tpu.memory_space<vmem>>) dst(%dma_wait3A_47 : memref<10000xf32, #tpu.memory_space<hbm>>)
    return
  }
}

module attributes {stable_mosaic.version = 14 : i64} {
  func.func @_tc_head(%arg0: memref<10000x1xf32, #tpu.memory_space<vmem>>, %arg1: memref<32x10000xf32, #tpu.memory_space<vmem>>, %arg2: memref<32x10000xf32, #tpu.memory_space<vmem>>, %arg3: memref<1x128xf32, #tpu.memory_space<vmem>>, %arg4: memref<1x128xf32, #tpu.memory_space<vmem>>, %arg5: memref<128x128xf32, #tpu.memory_space<vmem>>, %arg6: memref<1x128xf32, #tpu.memory_space<vmem>>, %arg7: memref<128x128xf32, #tpu.memory_space<vmem>>, %arg8: memref<1x128xf32, #tpu.memory_space<vmem>>, %arg9: memref<128x10xf32, #tpu.memory_space<vmem>>, %arg10: memref<1x10xf32, #tpu.memory_space<vmem>>, %arg11: memref<1x10xf32, #tpu.memory_space<vmem>>) attributes {dimension_semantics = [], scalar_prefetch = 0 : i64, scratch_operands = 0 : i64, tpu.core_type = #tpu.core_type<tc>} {
    %get3A = arith.constant 0 : index
    %get3A_0 = arith.constant 0 : index
    %get3A_1 = vector.load %arg1[%get3A, %get3A_0] : memref<32x10000xf32, #tpu.memory_space<vmem>>, vector<32x10000xf32>
    %reduce_sum3A = arith.constant dense<0.000000e+00> : vector<10000xf32>
    %reduce_sum3A_2 = vector.multi_reduction <add>, %get3A_1, %reduce_sum3A [0] : vector<32x10000xf32> to vector<10000xf32>
    %get3A_3 = arith.constant 0 : index
    %get3A_4 = arith.constant 0 : index
    %get3A_5 = vector.load %arg2[%get3A_3, %get3A_4] : memref<32x10000xf32, #tpu.memory_space<vmem>>, vector<32x10000xf32>
    %reduce_sum3A_6 = arith.constant dense<0.000000e+00> : vector<10000xf32>
    %reduce_sum3A_7 = vector.multi_reduction <add>, %get3A_5, %reduce_sum3A_6 [0] : vector<32x10000xf32> to vector<10000xf32>
    %get3A_8 = arith.constant 0 : index
    %get3A_9 = arith.constant 0 : index
    %get3A_10 = vector.load %arg0[%get3A_8, %get3A_9] : memref<10000x1xf32, #tpu.memory_space<vmem>>, vector<10000x1xf32>
    %squeeze3A = vector.shape_cast %get3A_10 : vector<10000x1xf32> to vector<10000xf32>
    %add3A = arith.addf %squeeze3A, %reduce_sum3A_2 : vector<10000xf32>
    %add3A_11 = arith.constant 1.000000e+00 : f32
    %add3A_12 = vector.broadcast %add3A_11 : f32 to vector<10000xf32>
    %add3A_13 = arith.addf %add3A_12, %reduce_sum3A_7 : vector<10000xf32>
    %convert_element_type3A = arith.truncf %add3A : vector<10000xf32> to vector<10000xbf16>
    %convert_element_type3A_14 = arith.extf %convert_element_type3A : vector<10000xbf16> to vector<10000xf32>
    %get3A_15 = arith.constant 0 : index
    %get3A_16 = arith.constant 0 : index
    %get3A_17 = vector.load %arg3[%get3A_15, %get3A_16] : memref<1x128xf32, #tpu.memory_space<vmem>>, vector<1x128xf32>
    %convert_element_type3A_18 = arith.truncf %get3A_17 : vector<1x128xf32> to vector<1x128xbf16>
    %convert_element_type3A_19 = arith.extf %convert_element_type3A_18 : vector<1x128xbf16> to vector<1x128xf32>
    %broadcast_in_dim3A = vector.shape_cast %convert_element_type3A_14 : vector<10000xf32> to vector<10000x1xf32>
    %mul3A = vector.broadcast %broadcast_in_dim3A : vector<10000x1xf32> to vector<10000x128xf32>
    %mul3A_20 = vector.broadcast %convert_element_type3A_19 : vector<1x128xf32> to vector<10000x128xf32>
    %mul3A_21 = arith.mulf %mul3A, %mul3A_20 : vector<10000x128xf32>
    %get3A_22 = arith.constant 0 : index
    %get3A_23 = arith.constant 0 : index
    %get3A_24 = vector.load %arg4[%get3A_22, %get3A_23] : memref<1x128xf32, #tpu.memory_space<vmem>>, vector<1x128xf32>
    %add3A_25 = vector.broadcast %get3A_24 : vector<1x128xf32> to vector<10000x128xf32>
    %add3A_26 = arith.addf %mul3A_21, %add3A_25 : vector<10000x128xf32>
    %max3A = arith.constant 0.000000e+00 : f32
    %max3A_27 = vector.broadcast %max3A : f32 to vector<10000x128xf32>
    %max3A_28 = arith.maximumf %add3A_26, %max3A_27 : vector<10000x128xf32>
    %broadcast_in_dim3A_29 = vector.shape_cast %add3A_13 : vector<10000xf32> to vector<1x10000xf32>
    %dot_general3A = arith.constant dense<0.000000e+00> : vector<1x128xf32>
    %dot_general3A_30 = tpu.matmul %broadcast_in_dim3A_29, %max3A_28, %dot_general3A {dimension_numbers = #tpu.dot_dimension_numbers<[1], [0], [0], [1], [0, 0, 1, 1], [], []>, precision = #tpu.contract_precision<fp32>, transpose_lhs_hint = false} : vector<1x10000xf32>, vector<10000x128xf32>, vector<1x128xf32> -> vector<1x128xf32>
    %mul3A_31 = arith.constant 9.99999974E-5 : f32
    %mul3A_32 = vector.broadcast %mul3A_31 : f32 to vector<1x128xf32>
    %mul3A_33 = arith.mulf %dot_general3A_30, %mul3A_32 : vector<1x128xf32>
    %get3A_34 = arith.constant 0 : index
    %get3A_35 = arith.constant 0 : index
    %get3A_36 = vector.load %arg5[%get3A_34, %get3A_35] : memref<128x128xf32, #tpu.memory_space<vmem>>, vector<128x128xf32>
    %dot_general3A_37 = arith.constant dense<0.000000e+00> : vector<1x128xf32>
    %dot_general3A_38 = tpu.matmul %mul3A_33, %get3A_36, %dot_general3A_37 {dimension_numbers = #tpu.dot_dimension_numbers<[1], [0], [0], [1], [0, 0, 1, 1], [], []>, transpose_lhs_hint = false} : vector<1x128xf32>, vector<128x128xf32>, vector<1x128xf32> -> vector<1x128xf32>
    %get3A_39 = arith.constant 0 : index
    %get3A_40 = arith.constant 0 : index
    %get3A_41 = vector.load %arg6[%get3A_39, %get3A_40] : memref<1x128xf32, #tpu.memory_space<vmem>>, vector<1x128xf32>
    %add3A_42 = arith.addf %dot_general3A_38, %get3A_41 : vector<1x128xf32>
    %get3A_43 = arith.constant 0 : index
    %get3A_44 = arith.constant 0 : index
    %get3A_45 = vector.load %arg7[%get3A_43, %get3A_44] : memref<128x128xf32, #tpu.memory_space<vmem>>, vector<128x128xf32>
    %dot_general3A_46 = arith.constant dense<0.000000e+00> : vector<1x128xf32>
    %dot_general3A_47 = tpu.matmul %add3A_42, %get3A_45, %dot_general3A_46 {dimension_numbers = #tpu.dot_dimension_numbers<[1], [0], [0], [1], [0, 0, 1, 1], [], []>, transpose_lhs_hint = false} : vector<1x128xf32>, vector<128x128xf32>, vector<1x128xf32> -> vector<1x128xf32>
    %get3A_48 = arith.constant 0 : index
    %get3A_49 = arith.constant 0 : index
    %get3A_50 = vector.load %arg8[%get3A_48, %get3A_49] : memref<1x128xf32, #tpu.memory_space<vmem>>, vector<1x128xf32>
    %add3A_51 = arith.addf %dot_general3A_47, %get3A_50 : vector<1x128xf32>
    %max3A_52 = arith.constant 0.000000e+00 : f32
    %max3A_53 = vector.broadcast %max3A_52 : f32 to vector<1x128xf32>
    %max3A_54 = arith.maximumf %add3A_51, %max3A_53 : vector<1x128xf32>
    %get3A_55 = arith.constant 0 : index
    %get3A_56 = arith.constant 0 : index
    %get3A_57 = vector.load %arg9[%get3A_55, %get3A_56] : memref<128x10xf32, #tpu.memory_space<vmem>>, vector<128x10xf32>
    %dot_general3A_58 = arith.constant dense<0.000000e+00> : vector<1x10xf32>
    %dot_general3A_59 = tpu.matmul %max3A_54, %get3A_57, %dot_general3A_58 {dimension_numbers = #tpu.dot_dimension_numbers<[1], [0], [0], [1], [0, 0, 1, 1], [], []>, transpose_lhs_hint = false} : vector<1x128xf32>, vector<128x10xf32>, vector<1x10xf32> -> vector<1x10xf32>
    %get3A_60 = arith.constant 0 : index
    %get3A_61 = arith.constant 0 : index
    %get3A_62 = vector.load %arg10[%get3A_60, %get3A_61] : memref<1x10xf32, #tpu.memory_space<vmem>>, vector<1x10xf32>
    %add3A_63 = arith.addf %dot_general3A_59, %get3A_62 : vector<1x10xf32>
    %swap3A = arith.constant 0 : index
    %swap3A_64 = arith.constant 0 : index
    %swap3A_65 = vector.load %arg11[%swap3A, %swap3A_64] : memref<1x10xf32, #tpu.memory_space<vmem>>, vector<1x10xf32>
    tpu.vector_store %arg11[%swap3A, %swap3A_64], %add3A_63 {strides = array<i32>} : memref<1x10xf32, #tpu.memory_space<vmem>>, vector<1x10xf32>,
    return
  }
}

</mosaic_0001>

<sc_bundles>
// kernel: kernel.4.cloned.1.call-start
scs
__scs_entry_jumppad:
0x0: {  	(pc) =	sbr.rel $0x88, $3  }
0x1: {  	(tag) =	ssettag $0x0;
	lr =	simm.s32 $0x1  }
0x2: {  	[smem:$0x3F97] =	sst lr;
	_ =	strace $0xD0000000  }
0x3: {  	_ = 	snop  }
0x4: {  	_ = 	snop  }
0x5: {  	_ = 	snop  }
0x6: {  	_ = 	snop  }
0x7: {  	_ = 	snop  }
__scs_overlays_trampoline_lowered:
0x8: {  	[smem:$0x3FA6] =	sst s0  }
0x9: {  	[smem:$0x3FA7] =	sst s1  }
0xa: {  	[smem:$0x3FA8] =	sst s2  }
0xb: {  	[smem:$0x3FA9] =	sst s3  }
0xc: {  	[smem:$0x3FAA] =	sst s4  }
0xd: {  	[smem:$0x3FAB] =	sst s5  }
0xe: {  	[smem:$0x3FAC] =	sst s6  }
0xf: {  	[smem:$0x3FAD] =	sst s7  }
0x10: {  	[smem:$0x3FAE] =	sst s8  }
0x11: {  	[smem:$0x3FAF] =	sst s9;
	s0 =	simm.s32 @!p0 $0x0  }
0x12: {  	s1 =	sld [smem:$0x3F95];
	s0 =	simm.s32 @p0 $0x1  }
0x13: {  	[smem:$0x3FB0] =	sst s0;
	s0 =	simm.s32 @!p1 $0x0  }
0x14: {  	s2 =	sld [smem:$0x3F94];
	s0 =	simm.s32 @p1 $0x1  }
0x15: {  	[smem:$0x3FB1] =	sst s0;
	s0 =	simm.s32 @!p2 $0x0  }
0x16: {  	s3 =	sld [smem:$0x3FDB];
	s0 =	simm.s32 @p2 $0x1  }
0x17: {  	s4 =	simm.s32 $0x1BF5;
	[smem:$0x3FB3] =	sst s0  }
0x18: {  	s0 =	sld [smem:$0x3F96];
	_ =	swait.ge [sflag:s4], $0x0  }
0x19: {  	s7 =	sld [smem:$0x3F97]  }
0x1a: {  	s8 =	sadd.s32 $0xFFFFE003, lr  }
0x1b: {  	s9 =	sadd.s32 $0xFFFFFEF7, lr;
	s5 =	simm.s32 $0xFFFFFFFF;
	p2 =	slt.u32 s8, $0xFFFFF086  }
0x1c: {  	p1 =	slt.u32 s9, $0xF7A;
	s5 =	simm.s32 @!p2 $0x0  }
0x1d: {  	s5 =	simm.s32 @p1 $0x1;
	p0 =	seq.s32 s7, s2  }
0x1e: {  	s7 =	smul.u32 @!p0 $0xF7A, s2;
	p2 =	seq.s32 @!p0 s5, $0x0  }
0x1f: {  	s9 =	smul.u32 $0xF7A, s1;
	s8 =	simm.s32 @!p0 $0x1BF5;
	p2 =	por !p2, p0  }
0x20: {  	[sflag:s8] =	ssyncset.s32 @!p0 $0xFFFFF086;
	s6 =	sadd.s32 @!p0 s3, s7;
	s7 =	simm.s32 @!p0 $0x108  }
0x21: {  	s3 =	sadd.s32 s3, s9;
	s6 =	sadd.s32 @!p0 $0x88, s6;
	s7 =	simm.s32 @p2 $0x1082  }
0x22: {  	[simem:s7], [sflag:s8] =	dma.local @!p0 [hbm:s6], $0xF7A  }
0x23: {  	s9 =	sor.u32 $0xD0000000, s2;
	s6 =	simm.s32 $0x108;
	_ =	swait.ge @!p0 [sflag:s8], $0x0  }
0x24: {  	s3 =	sadd.s32 $0x88, s3;
	s6 =	simm.s32 @!p1 $0x1082;
	[sflag:s4] =	ssyncset.s32 $0xFFFFF086  }
0x25: {  	[simem:s6], [sflag:s4] =	dma.local [hbm:s3], $0xF7A  }
0x26: {  	[smem:$0x3F97] =	sst s1;
	(tag) =	ssettag s2;
	_ =	strace s9  }
0x27: {  	s1 =	sld [smem:$0x3FA7]  }
0x28: {  	s2 =	sld [smem:$0x3FA8]  }
0x29: {  	s4 =	sld [smem:$0x3FAA]  }
0x2a: {  	p0 =	seq.s32 s5, $0x0;
	s5 =	sld [smem:$0x3FAB]  }
0x2b: {  	s6 =	sld [smem:$0x3FAC]  }
0x2c: {  	s7 =	sld [smem:$0x3FAD]  }
0x2d: {  	s3 =	simm.s32 $0x108;
	s8 =	sld [smem:$0x3FAE]  }
0x2e: {  	s3 =	simm.s32 @!p0 $0x1082;
	s9 =	sld [smem:$0x3FAF]  }
0x2f: {  	lr =	sadd.s32 s0, s3;
	s0 =	sld [smem:$0x3FA6]  }
0x30: {  	s3 =	sld [smem:$0x3FA9]  }
0x31: {  	[smem:$0x3FB2] =	sst s10  }
0x32: {  	s10 =	sld [smem:$0x3FB0];
	_ =	sdelay $0x3  }
0x33: {  	p0 =	seq.s32 s10, $0x1;
	s10 =	sld [smem:$0x3FB2];
	_ =	sdelay $0x3  }
0x34: {  	[smem:$0x3FB2] =	sst s10  }
0x35: {  	s10 =	sld [smem:$0x3FB1];
	_ =	sdelay $0x3  }
0x36: {  	p1 =	seq.s32 s10, $0x1;
	s10 =	sld [smem:$0x3FB2];
	_ =	sdelay $0x3  }
0x37: {  	[smem:$0x3FB2] =	sst s10  }
0x38: {  	s10 =	sld [smem:$0x3FB3]  }
0x39: {  	_ = 	snop;
	(pc) =	sbr.ind lr, $3  }
0x3a: {  	_ = 	snop  }
0x3b: {  	_ = 	snop  }
0x3c: {  	p2 =	seq.s32 s10, $0x1;
	s10 =	sld [smem:$0x3FB2]  }
0x3d: {  	_ =	shalt  }
0x3e: {  	_ =	shalt  }
0x3f: {  	_ =	shalt  }
0x40: {  	_ =	shalt  }
0x41: {  	_ =	shalt  }
0x42: {  	_ =	shalt  }
0x43: {  	_ =	shalt  }
0x44: {  	_ =	shalt  }
0x45: {  	_ =	shalt  }
0x46: {  	_ =	shalt  }
0x47: {  	_ =	shalt  }
0x48: {  	_ =	shalt  }
0x49: {  	_ =	shalt  }
0x4a: {  	_ =	shalt  }
0x4b: {  	_ =	shalt  }
0x4c: {  	_ =	shalt  }
0x4d: {  	_ =	shalt  }
0x4e: {  	_ =	shalt  }
0x4f: {  	_ =	shalt  }
0x50: {  	_ =	shalt  }
0x51: {  	_ =	shalt  }
0x52: {  	_ =	shalt  }
0x53: {  	_ =	shalt  }
0x54: {  	_ =	shalt  }
0x55: {  	_ =	shalt  }
0x56: {  	_ =	shalt  }
0x57: {  	_ =	shalt  }
0x58: {  	_ =	shalt  }
0x59: {  	_ =	shalt  }
0x5a: {  	_ =	shalt  }
0x5b: {  	_ =	shalt  }
0x5c: {  	_ =	shalt  }
0x5d: {  	_ =	shalt  }
0x5e: {  	_ =	shalt  }
0x5f: {  	_ =	shalt  }
0x60: {  	_ =	shalt  }
0x61: {  	_ =	shalt  }
0x62: {  	_ =	shalt  }
0x63: {  	_ =	shalt  }
0x64: {  	_ =	shalt  }
0x65: {  	_ =	shalt  }
0x66: {  	_ =	shalt  }
0x67: {  	_ =	shalt  }
0x68: {  	_ =	shalt  }
0x69: {  	_ =	shalt  }
0x6a: {  	_ =	shalt  }
0x6b: {  	_ =	shalt  }
0x6c: {  	_ =	shalt  }
0x6d: {  	_ =	shalt  }
0x6e: {  	_ =	shalt  }
0x6f: {  	_ =	shalt  }
0x70: {  	_ =	shalt  }
0x71: {  	_ =	shalt  }
0x72: {  	_ =	shalt  }
0x73: {  	_ =	shalt  }
0x74: {  	_ =	shalt  }
0x75: {  	_ =	shalt  }
0x76: {  	_ =	shalt  }
0x77: {  	_ =	shalt  }
0x78: {  	_ =	shalt  }
0x79: {  	_ =	shalt  }
0x7a: {  	_ =	shalt  }
0x7b: {  	_ =	shalt  }
0x7c: {  	_ =	shalt  }
0x7d: {  	_ =	shalt  }
0x7e: {  	_ =	shalt  }
0x7f: {  	_ =	shalt  }
0x80: {  	_ =	shalt  }
0x81: {  	_ =	shalt  }
0x82: {  	_ =	shalt  }
0x83: {  	_ =	shalt  }
0x84: {  	_ =	shalt  }
0x85: {  	_ =	shalt  }
0x86: {  	_ =	shalt  }
0x87: {  	_ =	shalt  }
.Lfunc_end0:
.L_simem_size_0:
called_computation_lowered:
.L_overlay_start_0:
0x88: {  	s2 =	sld [smem:$0x3FD9]  }
0x89: {  	s3 =	sld [smem:$0x3FFE];
	_ =	sdelay $0x1  }
0x8a: {  	s1 =	srdreg.scid  }
0x8b: {  	s0 =	sand.u32 $0x1, s1  }
0x8c: {  	s17 =	sshll.u32 s0, $0xA;
	s2 =	sadd.s32 s3, s2  }
0x8d: {  	s2 =	sadd.s32 s2, s17  }
0x8e: {  	[smem:$0x3FBE] =	sst s2  }
0x8f: {  	_ = 	snop  }
0x90: {  	s2 =	sld [smem:$0x3FC8];
	(tm) =	ssettm $0x1  }
0x91: {  	s18 =	sld [smem:$0x3FFB];
	_ =	sdelay $0x3  }
0x92: {  	_ =	strace s18  }
0x93: {  	s3 =	sld [smem:$0x3FFC];
	_ =	sdelay $0x3  }
0x94: {  	_ =	strace s3  }
0x95: {  	s3 =	sld [smem:$0x3FFD];
	_ =	sdelay $0x3  }
0x96: {  	_ =	strace s3  }
0x97: {  	_ =	strace $0x8FFFFFFF  }
0x98: {  	s19 =	sld [smem:$0x3FDB];
	_ =	sdelay $0x1  }
0x99: {  	s4 =	simm.s32 $_scs_section_size  }
0x9a: {  	s5 =	simm.s32 $_size__tile_overlayer_lowered;
	s6 =	simm.s32 $_tile_overlayer_lowered  }
0x9b: {  	s22 =	simm.s32 $0x1BFF;
	s21 =	sshll.u32 s6, $0x1;
	s3 =	sadd.s32 s4, s19  }
0x9c: {  	s7 =	simm.s32 $0x0;
	s20 =	sshll.u32 s5, $0x1;
	s5 =	sadd.s32 s21, s3  }
0x9d: {  	[timem:s7], [sflag:s22] =	dma.local [hbm:s5], s20  }
0x9e: {  	_ =	swait.ge [sflag:s22], s20  }
0x9f: {  	s4 =	ssub.s32 $0x0, s20;
	[sflag:s22] =	ssyncset.done $0x0  }
0xa0: {  	[sflag:s22] =	ssyncadd.s32 s4;
	_ =	sdelay $0x1  }
0xa1: {  	s23 =	simm.s32 $0x1B8B  }
0xa2: {  	_ =	swait.ge [sflag:s23], $0x1  }
0xa3: {  	[sflag:s23] =	ssyncset.done $0x0  }
0xa4: {  	s25 =	simm.s32 $0x1B8E;
	s24 =	sld [smem:$0x3FFE];
	[sflag:s23] =	ssyncadd.s32 $0xFFFFFFFF  }
0xa5: {  	s26 =	simm.s32 $execute0_lowered;
	[smem:$0x3FD2] =	sst s25  }
0xa6: {  	s5 =	sshll.u32 s26, $0x1;
	_ =	strace $0x80000046;
	[dreg:$0x1] =	wrdreg $0xFFFFFFFF  }
0xa7: {  	s28 =	simm.s32 $_size_execute0_lowered;
	s3 =	sadd.s32 s3, s5;
	[dreg:$0x0] =	wrdreg $0x0  }
0xa8: {  	s5 =	sshll.u32 s28, $0x1;
	[dreg:$0x2] =	wrdreg s3  }
0xa9: {  	[dreg:$0x3] =	wrdreg s5  }
0xaa: {  	[dreg:$0x4] =	wrdreg $0xC0  }
0xab: {  	_ =	task [dreg:s7], $0x5FFFF  }
0xac: {  	[dreg:$0x1] =	wrdreg $0xFFFFFFFF  }
0xad: {  	[dreg:$0x0] =	wrdreg $0x60  }
0xae: {  	[dreg:$0x2] =	wrdreg s24  }
0xaf: {  	[dreg:$0x3] =	wrdreg s2  }
0xb0: {  	[dreg:$0x4] =	wrdreg $0x9  }
0xb1: {  	_ =	task.clear_ibuf [dreg:s7], $0x5FFFF;
	_ =	strace $0x90000046  }
0xb2: {  	s29 =	simm.s32 $0x9;
	_ =	strace $0x80000048  }
0xb3: {  	_ =	swait.ge [sflag:s29], $0x1  }
0xb4: {  	[sflag:s29] =	ssyncadd.s32 $0xFFFFFFFF  }
0xb5: {  	_ =	strace $0x90000048  }
0xb6: {  	_ =	sfence  }
0xb7: {  	s30 =	sld [smem:$0x0];
	_ =	sdelay $0x2  }
0xb8: {  	s31 =	sshll.u32 s1, $0xD;
	s1 =	sshrl.u32 s1, $0x2  }
0xb9: {  	s3 =	sand.u32 $0x4000, s31;
	s1 =	sadd.s32 s1, s30  }
0xba: {  	s0 =	sor.u32 s3, s0;
	s1 =	sshll.u32 s1, $0x11  }
0xbb: {  	s0 =	sor.u32 s1, s0  }
0xbc: {  	s0 =	sadd.s32 $0x8F2B, s0  }
0xbd: {  	[sflag:s0] =	ssyncadd.remote.s32 $0x1  }
0xbe: {  	_ =	sfence.sel $0xFFFF  }
0xbf: {  	[dreg:$0x0] =	wrdreg $0xFFFFFFFF;
	(pc) =	sbr.abs _section_cstart, $3  }
0xc0: {  	[dreg:$0x1] =	wrdreg $0xFFFFFFFF  }
0xc1: {  	_ =	task.clear_ibuf [dreg:s7], $0x2FFFF;
	_ =	strace $0x9FFFFFFF  }
0xc2: {  	(tm) =	ssettm $0x7FFFFFFF  }
0xc3: {  	_ =	shalt  }
tec
execute0_lowered:
.L_overlay_start_1:
0x0: {  	(tag) =	ssettag $0x1  }
0x1: {  	s1 =	srdreg.scid;
	s4 =	rddreg [dreg:$0x0]  }
0x2: {  	s0 =	stileid.u32;
	s6 =	rddreg [dreg:$0x1];
	s11 =	simm.s32 $0x1  }
0x3: {  	s12 =	simm.s32 $0x2;
	s13 =	simm.s32 $0x7680;
	s14 =	simm.s32 $0x9E00  }
0x4: {  	s15 =	simm.s32 $0x80;
	s16 =	simm.s32 $0x400;
	s17 =	simm.s32 $0x3  }
0x5: {  	s18 =	simm.s32 $0x4;
	s19 =	simm.s32 $0x0;
	s5 =	sand.u32 $0x1, s1  }
0x6: {  	s23 =	sshll.u32 s0, $0x1;
	s2 =	sshrl.u32 s0, $0x2;
	s25 =	smul.u32 $0x4E20, s0  }
0x7: {  	s1 =	rddreg [dreg:$0x2];
	s3 =	sor.u32 s5, s23;
	s7 =	smul.u32 $0x13C00, s2  }
0x8: {  	s2 =	simm.s32 $0x0;
	s10 =	smul.u32 $0x2710, s5;
	s26 =	ssub.s32 $0x2, s5  }
0x9: {  	s8 =	sshll.u32 s3, $0x7;
	s9 =	smul.u32 $0x2710, s3;
	[smem:$0x7FF] =	sst s2  }
0xa: {  	s3 =	sadd.s32 $0x1A00, s4;
	s5 =	sshrl.u32 s26, $0x1;
	s8 =	sand.u32 $0x380, s8  }
0xb: {  	_ =	strace $0x80000047;
	s28 =	ssub.s32 s26, s5;
	s24 =	sor.u32 s7, s8  }
0xc: {  	s9 =	sshrl.u32 s9, $0x2;
	s7 =	sadd.s32 s10, s25;
	s10 =	simm.s32 $0x2780  }
0xd: {  	s8 =	sshrl.u32 s24, $0x3;
	s29 =	sand.u32 $0x1FFE0, s9;
	s7 =	sshrl.u32 s7, $0x4  }
0xe: {  	s8 =	sadd.s32 s8, s4;
	s4 =	sadd.s32 s6, s29;
	s30 =	sand.u32 $0x7, s7  }
0xf: {  	s7 =	smax.u32 s28, $0x1;
	s5 =	sadd.s32 $0x2000, s8;
	s31 =	sshll.u32 s30, $0x4  }
0x10: {  	v0 =	vimm.f32 $0.0e+00;
	v1 =	vimm.f32 $1.000000000e+00;
	s6 =	sadd.s32 $0xBE00, s8;
	s8 =	sshll.u32 s30, $0x5;
	s9 =	sadd.s32 $0x40, s31  }
.LBB2_1:
0x11: {  	[tilespmem:s2], [sflag:$0x1] =	stream.linear.gather [hbm4b:s3+s2], $0x2780, $0x38;
	[tilespmem:$0xC580] =	vst v63  }
0x12: {  	s20 =	simm.s32 $0x0;
	s21 =	simm.s32 $0x140  }
0x13: {  	[tilespmem:s10], [sflag:$0x2] =	stream.linear.gather [hbm4b:s4+s2], $0x4F00, $0x38;
	[tilespmem:$0xC580] =	vst v63  }
.LBB2_2:
0x14: {  	p0 =	sne.s32 s21, $0x9B00;
	[tilespmem:s20+$0x9E40] =	vst v0  }
0x15: {  	[tilespmem:s20+$0x7680] =	vst v0  }
0x16: {  	[tilespmem:s20+$0x9E00] =	vst v0  }
0x17: {  	[tilespmem:s20+$0x7690] =	vst v0  }
0x18: {  	[tilespmem:s20+$0x9E10] =	vst v0  }
.Ltmp0:
0x19: {  	[tilespmem:s20+$0x76A0] =	vst v0;
	(pc) =	sbr.rel @p0 .LBB2_2-.Ltmp0, $4  }
0x1a: {  	[tilespmem:s20+$0x9E20] =	vst v0  }
0x1b: {  	[tilespmem:s20+$0x76B0] =	vst v0  }
0x1c: {  	[tilespmem:s20+$0x9E30] =	vst v0  }
0x1d: {  	[tilespmem:s20+$0x76C0] =	vst v0;
	s20 =	sshra.s32 s21, $0x2;
	s21 =	sadd.s32 $0x140, s21  }
0x1e: {  	[tilespmem:s20+$0x9E40] =	vst v0  }
0x1f: {  	[tilespmem:s20+$0x7680] =	vst v0  }
0x20: {  	[tilespmem:s20+$0x9E00] =	vst v0  }
0x21: {  	[tilespmem:s20+$0x7690] =	vst v0  }
0x22: {  	[tilespmem:s20+$0x9E10] =	vst v0  }
0x23: {  	[tilespmem:s20+$0x76A0] =	vst v0  }
0x24: {  	[tilespmem:s20+$0x9E20] =	vst v0  }
0x25: {  	[tilespmem:s20+$0x76B0] =	vst v0  }
0x26: {  	[tilespmem:s20+$0x9E30] =	vst v0  }
0x27: {  	[tilespmem:s20+$0x76C0] =	vst v0  }
0x28: {  	s30 =	sadd.s32 $0xFFFFFFC0, s9;
	_ =	swait.ge [sflag:s11], $0x2780  }
0x29: {  	s21 =	sadd.s32 $0x0, s8;
	s22 =	sadd.s32 $0xFFFFFFD0, s9;
	[sflag:s11] =	ssyncset.done $0x0  }
0x2a: {  	s24 =	sadd.s32 $0xFFFFFFF0, s9;
	s31 =	sadd.s32 $0xFFFFFFE0, s9;
	[sflag:s11] =	ssyncadd.s32 $0xFFFFD880  }
0x2b: {  	s20 =	sand.u32 $0x70, s30;
	s23 =	sadd.s32 $0x20, s21;
	_ =	swait.ge [sflag:s12], $0x4F00  }
0x2c: {  	s22 =	sand.u32 $0x70, s22;
	s23 =	sand.u32 $0x1FF00, s23;
	[sflag:s12] =	ssyncset.done $0x0  }
0x2d: {  	s25 =	sand.u32 $0xFF00, s21;
	s22 =	sor.u32 s22, s23;
	[sflag:s12] =	ssyncadd.s32 $0xFFFFB100  }
0x2e: {  	s26 =	sadd.s32 $0x40, s21;
	s28 =	sadd.s32 $0x60, s21;
	s24 =	sand.u32 $0x70, s24;
	v2 =	vld [tilespmem:s22+$0x2780]  }
0x2f: {  	s29 =	sand.u32 $0x70, s31;
	s28 =	sand.u32 $0x1FF00, s28;
	s20 =	sor.u32 s20, s25;
	v7 =	vld [tilespmem:s22+$0x2800]  }
0x30: {  	s21 =	sadd.s32 $0x80, s21;
	s26 =	sand.u32 $0x1FF00, s26;
	s30 =	sor.u32 s24, s28;
	v5 =	vld [tilespmem:s20+$0x2780]  }
0x31: {  	s31 =	sand.u32 $0x70, s9;
	s21 =	sand.u32 $0x1FF00, s21;
	s22 =	sor.u32 s29, s26;
	v3 =	vld [tilespmem:s30+$0x2780]  }
0x32: {  	s21 =	sor.u32 s31, s21;
	v6 =	vld [tilespmem:s22+$0x2780]  }
0x33: {  	v4 =	vld [tilespmem:s21+$0x2780]  }
0x34: {  	v8 =	vld [tilespmem:s21+$0x2800]  }
0x35: {  	v9 =	vld [tilespmem:s20+$0x2800]  }
0x36: {  	v10 =	vld [tilespmem:s30+$0x2800]  }
0x37: {  	v11 =	vld [tilespmem:s22+$0x2800]  }
0x38: {  	v12 =	vld.idx.msk [tilespmem:v5+s2+$0x0], $0xffff  }
0x39: {  	v13 =	vld.idx.msk [tilespmem:v2+s2+$0x0], $0xffff  }
0x3a: {  	v14 =	vld.idx.msk [tilespmem:v6+s2+$0x0], $0xffff  }
0x3b: {  	v15 =	vld.idx.msk [tilespmem:v3+s2+$0x0], $0xffff  }
0x3c: {  	v16 =	vld.idx.msk [tilespmem:v4+s2+$0x0], $0xffff  }
0x3d: {  	[tilespmem:v9+s13+$0x0] =	vst.idx.add.f32.msk $0xffff, v12  }
0x3e: {  	[tilespmem:v7+s13+$0x0] =	vst.idx.add.f32.msk $0xffff, v13  }
0x3f: {  	[tilespmem:v11+s13+$0x0] =	vst.idx.add.f32.msk $0xffff, v14  }
0x40: {  	[tilespmem:v10+s13+$0x0] =	vst.idx.add.f32.msk $0xffff, v15  }
0x41: {  	s20 =	simm.s32 $0xA0;
	s21 =	sadd.s32 $0x50, s9;
	[tilespmem:v8+s13+$0x0] =	vst.idx.add.f32.msk $0xffff, v16  }
.LBB2_4:
0x42: {  	s22 =	sadd.s32 $0xFFFFFFC0, s21;
	s23 =	sadd.s32 $0xFFFFFFD0, s21;
	s24 =	sadd.s32 s20, s8;
	[tilespmem:v5+s14+$0x0] =	vst.idx.add.f32.msk $0xffff, v1  }
0x43: {  	s26 =	sand.u32 $0x70, s21;
	s22 =	sand.u32 $0x70, s22;
	s25 =	sadd.s32 $0x20, s24;
	[tilespmem:v2+s14+$0x0] =	vst.idx.add.f32.msk $0xffff, v1  }
0x44: {  	s28 =	sadd.s32 $0xFFFFFFF0, s21;
	s29 =	sand.u32 $0xFF00, s24;
	s23 =	sand.u32 $0x70, s23;
	[tilespmem:v6+s14+$0x0] =	vst.idx.add.f32.msk $0xffff, v1  }
0x45: {  	s30 =	sadd.s32 $0xFFFFFFE0, s21;
	s31 =	sadd.s32 $0x40, s24;
	s25 =	sand.u32 $0x1FF00, s25;
	[tilespmem:v3+s14+$0x0] =	vst.idx.add.f32.msk $0xffff, v1  }
0x46: {  	s23 =	sor.u32 s23, s25;
	s25 =	sand.u32 $0x1FF00, s31;
	s31 =	sadd.s32 $0x60, s24;
	[tilespmem:v4+s14+$0x0] =	vst.idx.add.f32.msk $0xffff, v1  }
0x47: {  	s30 =	sand.u32 $0x70, s30;
	s28 =	sand.u32 $0x70, s28;
	s31 =	sand.u32 $0x1FF00, s31;
	v2 =	vld [tilespmem:s23+$0x2780]  }
0x48: {  	s22 =	sor.u32 s22, s29;
	s25 =	sor.u32 s30, s25;
	s28 =	sor.u32 s28, s31;
	v7 =	vld [tilespmem:s23+$0x2800]  }
0x49: {  	p0 =	sne.s32 s20, $0x4D80;
	s20 =	sadd.s32 $0xA0, s20;
	s23 =	sadd.s32 $0x80, s24;
	v5 =	vld [tilespmem:s22+$0x2780]  }
0x4a: {  	s23 =	sand.u32 $0x1FF00, s23;
	v3 =	vld [tilespmem:s28+$0x2780]  }
0x4b: {  	s23 =	sor.u32 s26, s23;
	v6 =	vld [tilespmem:s25+$0x2780]  }
0x4c: {  	v4 =	vld [tilespmem:s23+$0x2780]  }
0x4d: {  	v8 =	vld [tilespmem:s23+$0x2800]  }
0x4e: {  	v9 =	vld [tilespmem:s28+$0x2800]  }
0x4f: {  	v10 =	vld [tilespmem:s22+$0x2800]  }
0x50: {  	v11 =	vld [tilespmem:s25+$0x2800]  }
0x51: {  	v12 =	vld.idx.msk [tilespmem:v5+s2+$0x0], $0xffff  }
0x52: {  	v13 =	vld.idx.msk [tilespmem:v2+s2+$0x0], $0xffff  }
0x53: {  	v14 =	vld.idx.msk [tilespmem:v6+s2+$0x0], $0xffff  }
0x54: {  	v15 =	vld.idx.msk [tilespmem:v3+s2+$0x0], $0xffff  }
0x55: {  	v16 =	vld.idx.msk [tilespmem:v4+s2+$0x0], $0xffff;
	_ =	sdelay $0x1  }
.Ltmp1:
0x56: {  	[tilespmem:v10+s13+$0x0] =	vst.idx.add.f32.msk $0xffff, v12;
	(pc) =	sbr.rel @p0 .LBB2_4-.Ltmp1, $4  }
0x57: {  	[tilespmem:v7+s13+$0x0] =	vst.idx.add.f32.msk $0xffff, v13  }
0x58: {  	[tilespmem:v11+s13+$0x0] =	vst.idx.add.f32.msk $0xffff, v14  }
0x59: {  	[tilespmem:v9+s13+$0x0] =	vst.idx.add.f32.msk $0xffff, v15  }
0x5a: {  	s21 =	sadd.s32 $0x50, s21;
	[tilespmem:v8+s13+$0x0] =	vst.idx.add.f32.msk $0xffff, v16  }
0x5b: {  	_ =	sdelay $0x3  }
0x5c: {  	[tilespmem:v5+s14+$0x0] =	vst.idx.add.f32.msk $0xffff, v1  }
0x5d: {  	[tilespmem:v2+s14+$0x0] =	vst.idx.add.f32.msk $0xffff, v1  }
0x5e: {  	[tilespmem:v6+s14+$0x0] =	vst.idx.add.f32.msk $0xffff, v1  }
0x5f: {  	[tilespmem:v3+s14+$0x0] =	vst.idx.add.f32.msk $0xffff, v1  }
0x60: {  	[tilespmem:v4+s14+$0x0] =	vst.idx.add.f32.msk $0xffff, v1  }
0x61: {  	[hbm4b:s5+s15] =	stream.strided.scatter [tilespmem:s13], [sflag:$0x3], $0x2780, s16, s15, $0x38;
	[tilespmem:$0xC580] =	vst v63  }
0x62: {  	s19 =	sadd.s32 $0x1, s19  }
0x63: {  	[hbm4b:s6+s15] =	stream.strided.scatter [tilespmem:s14], [sflag:$0x4], $0x2780, s16, s15, $0x38;
	[tilespmem:$0xC580] =	vst v63  }
0x64: {  	p0 =	sne.s32 s19, s7;
	_ =	swait.ge [sflag:s17], $0x2780  }
.Ltmp2:
0x65: {  	[sflag:s17] =	ssyncset.done $0x0;
	(pc) =	sbr.rel @p0 .LBB2_1-.Ltmp2, $4  }
0x66: {  	[sflag:s17] =	ssyncadd.s32 $0xFFFFD880  }
0x67: {  	_ =	swait.ge [sflag:s18], $0x2780  }
0x68: {  	[sflag:s18] =	ssyncset.done $0x0  }
0x69: {  	[sflag:s18] =	ssyncadd.s32 $0xFFFFD880  }
0x6a: {  	_ =	sfence.sel $0x180000  }
0x6b: {  	[bflag:$0x0] =	sbarrier.arrive $0xFFFF  }
0x6c: {  	p0 =	sne.s32 s0, $0x0;
	_ =	strace $0x90000047  }
0x6d: {  	s0 =	sadd.s32 @!p0 $0x100000, s1;
	[bflag:$0x2] =	sbarrier.arrive $0xFFFF  }
0x6e: {  	[sflag:s0] =	ssyncadd.tile.s32 @!p0 $0x1;
	_ =	shalt  }
.Lfunc_end2:
_tile_overlayer_lowered:
.L_overlay_start_2:
0x6f: {  	(tag) =	ssettag $0x2  }
0x70: {  	s0 =	rddreg [dreg:$0x0];
	s2 =	stileid.u32  }
0x71: {  	s1 =	rddreg [dreg:$0x1];
	p0 =	sne.s32 s2, $0x0  }
0x72: {  	s3 =	rddreg [dreg:$0x2];
	[bflag:$0x3] =	sbarrier.arrive $0xFFFF;
	s2 =	simm.s32 @!p0 $0x1C05  }
0x73: {  	[timem:s3], [sflag:s2] =	dma.local @!p0 [hbm:s0], s1  }
0x74: {  	s0 =	simm.s32 @!p0 $0x5  }
0x75: {  	_ =	swait.ge @!p0 [sflag:s0], s1  }
0x76: {  	s1 =	ssub.s32 @!p0 $0x0, s1;
	[sflag:s0] =	ssyncset.done @!p0 $0x0  }
0x77: {  	[sflag:s0] =	ssyncadd.s32 @!p0 s1  }
0x78: {  	[bflag:$0x3] =	sbarrier.arrive $0xFFFF  }
0x79: {  	_ =	shalt  }

</sc_bundles>
